<compile_context>
chip_gen: v7x
topology: tpu7x:2x2x1
jax: 0.10.2.dev20260603
libtpu: 0.0.44.dev20260713+nightly
codegen_flags: <defaults>
</compile_context>

<pallas_src>
import functools

import jax
import jax.numpy as jnp
from jax import lax
from jax.experimental import pallas as pl
from jax.experimental.pallas import tpu as pltpu
from jax.experimental.pallas import tpu_sc as plsc


def _sc_gather_body(sidx_hbm, stab_hbm, cidx_hbm, ctab_hbm,
                    kp_hbm, sout_hbm, idx_v, rows_v, sem, *, n_real):
    wid = lax.axis_index("s") * 2 + lax.axis_index("c")
    nb = idx_v.shape[0]
    T, B = cidx_hbm.shape[1], cidx_hbm.shape[2]
    nb_s = sidx_hbm.shape[0] * sidx_hbm.shape[1] // 32
    i = wid // 8
    base_s = (wid % 8) * nb_s
    pltpu.sync_copy(sidx_hbm.at[i, pl.ds(base_s, nb_s)], idx_v.at[pl.ds(0, nb_s)])
    pltpu.async_copy(stab_hbm.at[idx_v.at[pl.ds(0, nb_s)]],
                     rows_v.at[pl.ds(0, nb_s)], sem).wait()
    pltpu.sync_copy(rows_v.at[pl.ds(0, nb_s)],
                    sout_hbm.at[pl.ds(base_s, nb_s), i])

    bchunks = B // nb
    per_w = T * 2 * bchunks // 32

    def body(it, _):
        c = wid + 32 * it
        t = c // (2 * bchunks)
        j = (c // bchunks) % 2
        base = (c % bchunks) * nb
        pltpu.sync_copy(cidx_hbm.at[j, t, pl.ds(base, nb)], idx_v)
        pltpu.async_copy(ctab_hbm.at[idx_v], rows_v, sem).wait()
        pltpu.sync_copy(rows_v, kp_hbm.at[t, n_real + j, pl.ds(base, nb)])
        return 0

    lax.fori_loop(0, per_w, body, 0)


def _sc_gather(sidx_b, stab2, cidx, ctab2, n_real, n_known):
    _, T, B = cidx.shape
    n_static = sidx_b.shape[0]
    L = stab2.shape[-1]
    mesh = plsc.VectorSubcoreMesh(core_axis_name="c", subcore_axis_name="s")
    f = pl.kernel(
        functools.partial(_sc_gather_body, n_real=n_real),
        mesh=mesh,
        out_type=[
            jax.ShapeDtypeStruct((T, n_known, B, L), jnp.float32),
            jax.ShapeDtypeStruct((B, n_static, L), jnp.float32),
        ],
        scratch_types=[
            pltpu.VMEM((128,), jnp.int32),
            pltpu.VMEM((128, L), jnp.float32),
            pltpu.SemaphoreType.DMA,
        ],
    )
    return f(sidx_b, stab2, cidx, ctab2)


def _known_dense_body(x_ref, w_ref, b_ref, kp_any, out_ref):
    del kp_any
    out_ref[...] = x_ref[...] * w_ref[...] + b_ref[...]


def _obs_body(xo_ref, wo_ref, bo_ref, obs_ref):
    obs_ref[...] = (xo_ref[...] * wo_ref[...][None, None, :, :]
                    + bo_ref[...][None, None, :, :])


def kernel(static, known_real, known_categorical, observed, static_tables,
           known_cat_tables, real_W, real_b, obs_W, obs_b):
    B, T, n_real = known_real.shape
    n_obs = observed.shape[-1]
    n_cat = known_categorical.shape[-1]
    n_static = static_tables.shape[0]
    vocab, L = static_tables.shape[1], static_tables.shape[2]
    n_known = n_real + n_cat

    sidx_b = (static[:, 0, :].astype(jnp.int32).T
              + jnp.arange(n_static, dtype=jnp.int32)[:, None] * vocab)
    stab2 = static_tables.reshape(n_static * vocab, L)
    cidx = (known_categorical.transpose(2, 1, 0).astype(jnp.int32)
            + jnp.arange(n_cat, dtype=jnp.int32)[:, None, None] * vocab)
    ctab2 = known_cat_tables.reshape(n_cat * vocab, L)
    catp, static_embs = _sc_gather(sidx_b, stab2, cidx, ctab2,
                                   n_real, n_known)

    xk_t = known_real.transpose(1, 2, 0)[..., None]
    xo4 = observed[..., None]
    w4 = real_W[None, :, None, :]
    b4 = real_b[None, :, None, :]

    full = lambda shape: pl.BlockSpec(shape, lambda *a: (0,) * len(shape))
    OB = 32
    obs_p = pl.pallas_call(
        _obs_body,
        grid=(B // OB,),
        in_specs=[
            pl.BlockSpec((OB, T, n_obs, 1), lambda r: (r, 0, 0, 0)),
            full((n_obs, L)),
            full((n_obs, L)),
        ],
        out_specs=pl.BlockSpec((OB, T, n_obs, L), lambda r: (r, 0, 0, 0)),
        out_shape=jax.ShapeDtypeStruct((B, T, n_obs, L), jnp.float32),
    )(xo4, obs_W, obs_b)

    BB = 32
    known_p = pl.pallas_call(
        _known_dense_body,
        grid=(B // BB,),
        in_specs=[
            pl.BlockSpec((T, n_real, BB, 1), lambda r: (0, 0, r, 0)),
            full((1, n_real, 1, L)),
            full((1, n_real, 1, L)),
            pl.BlockSpec(memory_space=pl.ANY),
        ],
        out_specs=pl.BlockSpec((T, n_real, BB, L), lambda r: (0, 0, r, 0)),
        out_shape=jax.ShapeDtypeStruct((T, n_known, B, L), jnp.float32),
        input_output_aliases={3: 0},
    )(xk_t, w4, b4, catp)

    return (static_embs,
            jnp.transpose(known_p, (2, 0, 3, 1)),
            jnp.swapaxes(obs_p, 2, 3))

# --- scband reference (transcript-rebuilt; emitter-appended) ---
"""Pipeline reference for scband-input-embedding-35553739276964 (READ-ONLY COPY).

The authoritative reference and input builder live on the scoring server;
editing this copy changes nothing except your own understanding.
"""

import jax, jax.numpy as jnp
import numpy as np

B, T, L = 1024, 50, 128
N_STATIC, N_CAT, N_REAL, N_OBS = 4, 2, 8, 8
VOCAB = 1000


def setup_inputs(seed: int = 0) -> dict:
    key = jax.random.key(seed)
    ks = jax.random.split(key, 10)
    static = jax.random.randint(ks[0], (B, T, N_STATIC), 0, VOCAB, dtype=jnp.int64) if jax.config.jax_enable_x64 else jax.random.randint(ks[0], (B, T, N_STATIC), 0, VOCAB)
    known_real = jax.random.normal(ks[1], (B, T, N_REAL), dtype=jnp.float32)
    known_categorical = jax.random.randint(ks[2], (B, T, N_CAT), 0, VOCAB)
    observed = jax.random.normal(ks[3], (B, T, N_OBS), dtype=jnp.float32)
    static_tables = jax.random.normal(ks[4], (N_STATIC, VOCAB, L), dtype=jnp.float32) * 0.02
    known_cat_tables = jax.random.normal(ks[5], (N_CAT, VOCAB, L), dtype=jnp.float32) * 0.02
    real_W = jax.random.normal(ks[6], (N_REAL, L), dtype=jnp.float32) * 0.02
    real_b = jnp.zeros((N_REAL, L), dtype=jnp.float32)
    obs_W = jax.random.normal(ks[7], (N_OBS, L), dtype=jnp.float32) * 0.02
    obs_b = jnp.zeros((N_OBS, L), dtype=jnp.float32)
    return {"static": static, "known_real": known_real, "known_categorical": known_categorical, "observed": observed, "static_tables": static_tables, "known_cat_tables": known_cat_tables, "real_W": real_W, "real_b": real_b, "obs_W": obs_W, "obs_b": obs_b}


def reference(static, known_real, known_categorical, observed, static_tables, known_cat_tables, real_W, real_b, obs_W, obs_b):
    # Static categorical embeddings: only the first time step is used (static[:, 0, i])
    static_embs = jnp.stack([jnp.take(static_tables[i], static[:, 0, i], axis=0) for i in range(N_STATIC)], axis=1)  # [B, N_STATIC, L]
    # Known real inputs: Dense(1 -> L) per channel == scalar * W + b
    real_embs = jnp.stack([known_real[..., i, None] * real_W[i] + real_b[i] for i in range(N_REAL)], axis=-1)  # [B, T, L, N_REAL]
    # Known categorical embeddings (gather)
    cat_embs = jnp.stack([jnp.take(known_cat_tables[i], known_categorical[..., i], axis=0) for i in range(N_CAT)], axis=-1)  # [B, T, L, N_CAT]
    known_embs = jnp.concatenate([real_embs, cat_embs], axis=-1)  # [B, T, L, N_REAL + N_CAT]
    # Observed inputs: Dense(1 -> L) per channel
    obs_embs = jnp.stack([observed[..., i, None] * obs_W[i] + obs_b[i] for i in range(N_OBS)], axis=-1)  # [B, T, L, N_OBS]
    return (static_embs, known_embs, obs_embs)

if __name__ == "__main__":
    import jax
    _d = setup_inputs()
    print(jax.jit(kernel)(*tuple(_d.values())))

</pallas_src>

<mosaic_0001>
#map = affine_map<(d0, d1) -> (0, 0)>
#map1 = affine_map<(d0, d1) -> (0, 0, 0)>
#map2 = affine_map<(d0, d1) -> (0, 0, 0, 0)>
module attributes {stable_mosaic.version = 14 : i64} {
  func.func @_sc_gather_body(%arg0: i32, %arg1: i32, %arg2: memref<4x1024xi32, #tpu.memory_space<hbm>>, %arg3: memref<4000x128xf32, #tpu.memory_space<hbm>>, %arg4: memref<2x50x1024xi32, #tpu.memory_space<hbm>>, %arg5: memref<2000x128xf32, #tpu.memory_space<hbm>>, %arg6: memref<50x10x1024x128xf32, #tpu.memory_space<hbm>>, %arg7: memref<1024x4x128xf32, #tpu.memory_space<hbm>>, %arg8: memref<128xi32, #tpu.memory_space<vmem>>, %arg9: memref<128x128xf32, #tpu.memory_space<vmem>>, %arg10: memref<!tpu.dma_semaphore, #tpu.memory_space<semaphore_mem>>) attributes {dimension_semantics = [#tpu.dimension_semantics<core_parallel>, #tpu.dimension_semantics<subcore_parallel>], iteration_bounds = array<i64: 2, 16>, scalar_prefetch = 0 : i64, scratch_operands = 3 : i64, tpu.core_type = #tpu.core_type<sc_vector_subcore>, window_params = [{transform_indices = #map}, {transform_indices = #map}, {transform_indices = #map1}, {transform_indices = #map}, {transform_indices = #map2}, {transform_indices = #map1}]} {
    %mul3A = arith.constant 2 : i32
    %mul3A_0 = arith.muli %arg1, %mul3A : i32
    %add3A = arith.addi %mul3A_0, %arg0 : i32
    %jit3A = arith.constant 8 : i32
    %div3A = arith.divsi %add3A, %jit3A : i32
    %sign3A = arith.constant 0 : i32
    %sign3A_1 = arith.cmpi sgt, %add3A, %sign3A : i32
    %sign3A_2 = arith.extui %sign3A_1 : i1 to i32
    %sign3A_3 = arith.constant 0 : i32
    %sign3A_4 = arith.cmpi slt, %add3A, %sign3A_3 : i32
    %sign3A_5 = arith.extui %sign3A_4 : i1 to i32
    %sign3A_6 = arith.subi %sign3A_2, %sign3A_5 : i32
    %sign3A_7 = arith.constant 0 : i32
    %sign3A_8 = arith.cmpi sgt, %jit3A, %sign3A_7 : i32
    %sign3A_9 = arith.extui %sign3A_8 : i1 to i32
    %sign3A_10 = arith.constant 0 : i32
    %sign3A_11 = arith.cmpi slt, %jit3A, %sign3A_10 : i32
    %sign3A_12 = arith.extui %sign3A_11 : i1 to i32
    %sign3A_13 = arith.subi %sign3A_9, %sign3A_12 : i32
    %ne3A = arith.cmpi ne, %sign3A_6, %sign3A_13 : i32
    %rem3A = arith.remsi %add3A, %jit3A : i32
    %ne3A_14 = arith.constant 0 : i32
    %ne3A_15 = arith.cmpi ne, %rem3A, %ne3A_14 : i32
    %and3A = arith.andi %ne3A, %ne3A_15 : i1
    %sub3A = arith.constant 1 : i32
    %sub3A_16 = arith.subi %div3A, %sub3A : i32
    %select_n3A = arith.select %and3A, %sub3A_16, %div3A : i32
    %jit3A_17 = arith.constant 8 : i32
    %eq3A = arith.constant 0 : i32
    %eq3A_18 = arith.cmpi eq, %jit3A_17, %eq3A : i32
    %jit3A_19 = arith.constant 1 : i32
    %select_n3A_20 = arith.select %eq3A_18, %jit3A_19, %jit3A_17 : i32
    %rem3A_21 = arith.remsi %add3A, %select_n3A_20 : i32
    %ne3A_22 = arith.constant 0 : i32
    %ne3A_23 = arith.cmpi ne, %rem3A_21, %ne3A_22 : i32
    %lt3A = arith.constant 0 : i32
    %lt3A_24 = arith.cmpi slt, %rem3A_21, %lt3A : i32
    %lt3A_25 = arith.constant 0 : i32
    %lt3A_26 = arith.cmpi slt, %select_n3A_20, %lt3A_25 : i32
    %ne3A_27 = arith.xori %lt3A_24, %lt3A_26 : i1
    %and3A_28 = arith.andi %ne3A_27, %ne3A_23 : i1
    %add3A_29 = arith.addi %rem3A_21, %select_n3A_20 : i32
    %select_n3A_30 = arith.select %and3A_28, %add3A_29, %rem3A_21 : i32
    %mul3A_31 = arith.constant 128 : i32
    %mul3A_32 = arith.muli %select_n3A_30, %mul3A_31 : i32
    "tpu.region"() ({
      %run_scoped3A = tpu.sem_alloc : memref<!tpu.dma_semaphore, #tpu.memory_space<semaphore_mem>>
      %dma_start3A_53 = arith.constant 0 : i32
      %dma_start3A_54 = tpu.memref_slice %arg8[%dma_start3A_53] : memref<128xi32, #tpu.memory_space<vmem>> -> memref<128xi32, #tpu.memory_space<vmem>>
      %dma_start3A_55 = tpu.memref_slice %arg2[%select_n3A, %mul3A_32] : memref<4x1024xi32, #tpu.memory_space<hbm>> -> memref<1x128xi32, #tpu.memory_space<hbm>>
      %dma_start3A_56 = tpu.memref_squeeze %dma_start3A_55 : memref<1x128xi32, #tpu.memory_space<hbm>> -> memref<128xi32, #tpu.memory_space<hbm>>
      %dma_start3A_57 = arith.constant 0 : i32
      %dma_start3A_58 = tpu.memref_slice %arg8[%dma_start3A_57] : memref<128xi32, #tpu.memory_space<vmem>> -> memref<128xi32, #tpu.memory_space<vmem>>
      %dma_start3A_59 = tpu.memref_slice %arg2[%select_n3A, %mul3A_32] : memref<4x1024xi32, #tpu.memory_space<hbm>> -> memref<1x128xi32, #tpu.memory_space<hbm>>
      %dma_start3A_60 = tpu.memref_squeeze %dma_start3A_59 : memref<1x128xi32, #tpu.memory_space<hbm>> -> memref<128xi32, #tpu.memory_space<hbm>>
      tpu.enqueue_dma source(%dma_start3A_60 : memref<128xi32, #tpu.memory_space<hbm>>) target(%dma_start3A_58 : memref<128xi32, #tpu.memory_space<vmem>>) target_semaphore(%run_scoped3A : memref<!tpu.dma_semaphore, #tpu.memory_space<semaphore_mem>>)
      %dma_wait3A_61 = arith.constant 0 : i32
      %dma_wait3A_62 = tpu.memref_slice %arg8[%dma_wait3A_61] : memref<128xi32, #tpu.memory_space<vmem>> -> memref<128xi32, #tpu.memory_space<vmem>>
      %dma_wait3A_63 = tpu.memref_slice %arg2[%select_n3A, %mul3A_32] : memref<4x1024xi32, #tpu.memory_space<hbm>> -> memref<1x128xi32, #tpu.memory_space<hbm>>
      %dma_wait3A_64 = tpu.memref_squeeze %dma_wait3A_63 : memref<1x128xi32, #tpu.memory_space<hbm>> -> memref<128xi32, #tpu.memory_space<hbm>>
      %dma_wait3A_65 = arith.constant 0 : i32
      %dma_wait3A_66 = tpu.memref_slice %arg8[%dma_wait3A_65] : memref<128xi32, #tpu.memory_space<vmem>> -> memref<128xi32, #tpu.memory_space<vmem>>
      %dma_wait3A_67 = tpu.memref_slice %arg2[%select_n3A, %mul3A_32] : memref<4x1024xi32, #tpu.memory_space<hbm>> -> memref<1x128xi32, #tpu.memory_space<hbm>>
      %dma_wait3A_68 = tpu.memref_squeeze %dma_wait3A_67 : memref<1x128xi32, #tpu.memory_space<hbm>> -> memref<128xi32, #tpu.memory_space<hbm>>
      tpu.wait_dma2 semaphore(%run_scoped3A : memref<!tpu.dma_semaphore, #tpu.memory_space<semaphore_mem>>) src(%dma_wait3A_68 : memref<128xi32, #tpu.memory_space<hbm>>) dst(%dma_wait3A_66 : memref<128xi32, #tpu.memory_space<vmem>>)
      tpu.yield
    }) : () -> ()
    %dma_start3A = arith.constant 0 : i32
    %dma_start3A_33 = arith.constant 0 : i32
    %dma_start3A_34 = tpu.memref_slice %arg9[%dma_start3A, %dma_start3A_33] : memref<128x128xf32, #tpu.memory_space<vmem>> -> memref<128x128xf32, #tpu.memory_space<vmem>>
    %dma_start3A_35 = arith.constant 0 : i32
    %dma_start3A_36 = tpu.memref_slice %arg8[%dma_start3A_35] : memref<128xi32, #tpu.memory_space<vmem>> -> memref<128xi32, #tpu.memory_space<vmem>>
    %dma_start3A_37 = arith.constant 0 : i32
    %dma_start3A_38 = arith.constant 0 : i32
    %dma_start3A_39 = tpu.memref_slice %arg3[%dma_start3A_37, %dma_start3A_38] : memref<4000x128xf32, #tpu.memory_space<hbm>> -> memref<4000x128xf32, #tpu.memory_space<hbm>>
    tpu.enqueue_indirect_dma source(%dma_start3A_39 : memref<4000x128xf32, #tpu.memory_space<hbm>>) target(%dma_start3A_34 : memref<128x128xf32, #tpu.memory_space<vmem>>) offsets(%dma_start3A_36 : memref<128xi32, #tpu.memory_space<vmem>>) semaphore(%arg10 : memref<!tpu.dma_semaphore, #tpu.memory_space<semaphore_mem>>)
    %dma_wait3A = arith.constant 0 : i32
    %dma_wait3A_40 = arith.constant 0 : i32
    %dma_wait3A_41 = tpu.memref_slice %arg9[%dma_wait3A, %dma_wait3A_40] : memref<128x128xf32, #tpu.memory_space<vmem>> -> memref<128x128xf32, #tpu.memory_space<vmem>>
    %dma_wait3A_42 = arith.constant 0 : i32
    %dma_wait3A_43 = tpu.memref_slice %arg8[%dma_wait3A_42] : memref<128xi32, #tpu.memory_space<vmem>> -> memref<128xi32, #tpu.memory_space<vmem>>
    %dma_wait3A_44 = arith.constant 0 : i32
    %dma_wait3A_45 = arith.constant 0 : i32
    %dma_wait3A_46 = tpu.memref_slice %arg3[%dma_wait3A_44, %dma_wait3A_45] : memref<4000x128xf32, #tpu.memory_space<hbm>> -> memref<4000x128xf32, #tpu.memory_space<hbm>>
    tpu.wait_indirect_dma semaphore(%arg10 : memref<!tpu.dma_semaphore, #tpu.memory_space<semaphore_mem>>) src(%dma_wait3A_46 : memref<4000x128xf32, #tpu.memory_space<hbm>>) dst(%dma_wait3A_41 : memref<128x128xf32, #tpu.memory_space<vmem>>)
    "tpu.region"() ({
      %run_scoped3A = tpu.sem_alloc : memref<!tpu.dma_semaphore, #tpu.memory_space<semaphore_mem>>
      %dma_start3A_53 = arith.constant 0 : i32
      %dma_start3A_54 = arith.constant 0 : i32
      %dma_start3A_55 = tpu.memref_slice %arg9[%dma_start3A_53, %dma_start3A_54] : memref<128x128xf32, #tpu.memory_space<vmem>> -> memref<128x128xf32, #tpu.memory_space<vmem>>
      %dma_start3A_56 = arith.constant 0 : i32
      %dma_start3A_57 = tpu.memref_slice %arg7[%mul3A_32, %select_n3A, %dma_start3A_56] : memref<1024x4x128xf32, #tpu.memory_space<hbm>> -> memref<128x1x128xf32, #tpu.memory_space<hbm>>
      %dma_start3A_58 = tpu.memref_squeeze %dma_start3A_57 : memref<128x1x128xf32, #tpu.memory_space<hbm>> -> memref<128x128xf32, #tpu.memory_space<hbm>>
      %dma_start3A_59 = arith.constant 0 : i32
      %dma_start3A_60 = tpu.memref_slice %arg7[%mul3A_32, %select_n3A, %dma_start3A_59] : memref<1024x4x128xf32, #tpu.memory_space<hbm>> -> memref<128x1x128xf32, #tpu.memory_space<hbm>>
      %dma_start3A_61 = tpu.memref_squeeze %dma_start3A_60 : memref<128x1x128xf32, #tpu.memory_space<hbm>> -> memref<128x128xf32, #tpu.memory_space<hbm>>
      %dma_start3A_62 = arith.constant 0 : i32
      %dma_start3A_63 = arith.constant 0 : i32
      %dma_start3A_64 = tpu.memref_slice %arg9[%dma_start3A_62, %dma_start3A_63] : memref<128x128xf32, #tpu.memory_space<vmem>> -> memref<128x128xf32, #tpu.memory_space<vmem>>
      tpu.enqueue_dma source(%dma_start3A_64 : memref<128x128xf32, #tpu.memory_space<vmem>>) target(%dma_start3A_61 : memref<128x128xf32, #tpu.memory_space<hbm>>) target_semaphore(%run_scoped3A : memref<!tpu.dma_semaphore, #tpu.memory_space<semaphore_mem>>)
      %dma_wait3A_65 = arith.constant 0 : i32
      %dma_wait3A_66 = arith.constant 0 : i32
      %dma_wait3A_67 = tpu.memref_slice %arg9[%dma_wait3A_65, %dma_wait3A_66] : memref<128x128xf32, #tpu.memory_space<vmem>> -> memref<128x128xf32, #tpu.memory_space<vmem>>
      %dma_wait3A_68 = arith.constant 0 : i32
      %dma_wait3A_69 = tpu.memref_slice %arg7[%mul3A_32, %select_n3A, %dma_wait3A_68] : memref<1024x4x128xf32, #tpu.memory_space<hbm>> -> memref<128x1x128xf32, #tpu.memory_space<hbm>>
      %dma_wait3A_70 = tpu.memref_squeeze %dma_wait3A_69 : memref<128x1x128xf32, #tpu.memory_space<hbm>> -> memref<128x128xf32, #tpu.memory_space<hbm>>
      %dma_wait3A_71 = arith.constant 0 : i32
      %dma_wait3A_72 = tpu.memref_slice %arg7[%mul3A_32, %select_n3A, %dma_wait3A_71] : memref<1024x4x128xf32, #tpu.memory_space<hbm>> -> memref<128x1x128xf32, #tpu.memory_space<hbm>>
      %dma_wait3A_73 = tpu.memref_squeeze %dma_wait3A_72 : memref<128x1x128xf32, #tpu.memory_space<hbm>> -> memref<128x128xf32, #tpu.memory_space<hbm>>
      %dma_wait3A_74 = arith.constant 0 : i32
      %dma_wait3A_75 = arith.constant 0 : i32
      %dma_wait3A_76 = tpu.memref_slice %arg9[%dma_wait3A_74, %dma_wait3A_75] : memref<128x128xf32, #tpu.memory_space<vmem>> -> memref<128x128xf32, #tpu.memory_space<vmem>>
      tpu.wait_dma2 semaphore(%run_scoped3A : memref<!tpu.dma_semaphore, #tpu.memory_space<semaphore_mem>>) src(%dma_wait3A_76 : memref<128x128xf32, #tpu.memory_space<vmem>>) dst(%dma_wait3A_73 : memref<128x128xf32, #tpu.memory_space<hbm>>)
      tpu.yield
    }) : () -> ()
    %scan3A = arith.constant 0 : i32
    %scan3A_47 = arith.constant 0 : i32
    %scan3A_48 = arith.constant 25 : i32
    %scan3A_49 = arith.addi %scan3A_47, %scan3A_48 : i32
    %scan3A_50 = arith.constant 1 : i32
    %scan3A_51 = scf.for %scan3A_53 = %scan3A_47 to %scan3A_49 step %scan3A_50 iter_args(%scan3A_54 = %scan3A) -> (i32)  : i32 {
      %mul3A_55 = arith.constant 32 : i32
      %mul3A_56 = arith.muli %mul3A_55, %scan3A_53 : i32
      %add3A_57 = arith.addi %add3A, %mul3A_56 : i32
      %jit3A_58 = arith.constant 16 : i32
      %div3A_59 = arith.divsi %add3A_57, %jit3A_58 : i32
      %sign3A_60 = arith.constant 0 : i32
      %sign3A_61 = arith.cmpi sgt, %add3A_57, %sign3A_60 : i32
      %sign3A_62 = arith.extui %sign3A_61 : i1 to i32
      %sign3A_63 = arith.constant 0 : i32
      %sign3A_64 = arith.cmpi slt, %add3A_57, %sign3A_63 : i32
      %sign3A_65 = arith.extui %sign3A_64 : i1 to i32
      %sign3A_66 = arith.subi %sign3A_62, %sign3A_65 : i32
      %sign3A_67 = arith.constant 0 : i32
      %sign3A_68 = arith.cmpi sgt, %jit3A_58, %sign3A_67 : i32
      %sign3A_69 = arith.extui %sign3A_68 : i1 to i32
      %sign3A_70 = arith.constant 0 : i32
      %sign3A_71 = arith.cmpi slt, %jit3A_58, %sign3A_70 : i32
      %sign3A_72 = arith.extui %sign3A_71 : i1 to i32
      %sign3A_73 = arith.subi %sign3A_69, %sign3A_72 : i32
      %ne3A_74 = arith.cmpi ne, %sign3A_66, %sign3A_73 : i32
      %rem3A_75 = arith.remsi %add3A_57, %jit3A_58 : i32
      %ne3A_76 = arith.constant 0 : i32
      %ne3A_77 = arith.cmpi ne, %rem3A_75, %ne3A_76 : i32
      %and3A_78 = arith.andi %ne3A_74, %ne3A_77 : i1
      %sub3A_79 = arith.constant 1 : i32
      %sub3A_80 = arith.subi %div3A_59, %sub3A_79 : i32
      %select_n3A_81 = arith.select %and3A_78, %sub3A_80, %div3A_59 : i32
      %jit3A_82 = arith.constant 8 : i32
      %div3A_83 = arith.divsi %add3A_57, %jit3A_82 : i32
      %sign3A_84 = arith.constant 0 : i32
      %sign3A_85 = arith.cmpi sgt, %add3A_57, %sign3A_84 : i32
      %sign3A_86 = arith.extui %sign3A_85 : i1 to i32
      %sign3A_87 = arith.constant 0 : i32
      %sign3A_88 = arith.cmpi slt, %add3A_57, %sign3A_87 : i32
      %sign3A_89 = arith.extui %sign3A_88 : i1 to i32
      %sign3A_90 = arith.subi %sign3A_86, %sign3A_89 : i32
      %sign3A_91 = arith.constant 0 : i32
      %sign3A_92 = arith.cmpi sgt, %jit3A_82, %sign3A_91 : i32
      %sign3A_93 = arith.extui %sign3A_92 : i1 to i32
      %sign3A_94 = arith.constant 0 : i32
      %sign3A_95 = arith.cmpi slt, %jit3A_82, %sign3A_94 : i32
      %sign3A_96 = arith.extui %sign3A_95 : i1 to i32
      %sign3A_97 = arith.subi %sign3A_93, %sign3A_96 : i32
      %ne3A_98 = arith.cmpi ne, %sign3A_90, %sign3A_97 : i32
      %rem3A_99 = arith.remsi %add3A_57, %jit3A_82 : i32
      %ne3A_100 = arith.constant 0 : i32
      %ne3A_101 = arith.cmpi ne, %rem3A_99, %ne3A_100 : i32
      %and3A_102 = arith.andi %ne3A_98, %ne3A_101 : i1
      %sub3A_103 = arith.constant 1 : i32
      %sub3A_104 = arith.subi %div3A_83, %sub3A_103 : i32
      %select_n3A_105 = arith.select %and3A_102, %sub3A_104, %div3A_83 : i32
      %jit3A_106 = arith.constant 2 : i32
      %eq3A_107 = arith.constant 0 : i32
      %eq3A_108 = arith.cmpi eq, %jit3A_106, %eq3A_107 : i32
      %jit3A_109 = arith.constant 1 : i32
      %select_n3A_110 = arith.select %eq3A_108, %jit3A_109, %jit3A_106 : i32
      %rem3A_111 = arith.remsi %select_n3A_105, %select_n3A_110 : i32
      %ne3A_112 = arith.constant 0 : i32
      %ne3A_113 = arith.cmpi ne, %rem3A_111, %ne3A_112 : i32
      %lt3A_114 = arith.constant 0 : i32
      %lt3A_115 = arith.cmpi slt, %rem3A_111, %lt3A_114 : i32
      %lt3A_116 = arith.constant 0 : i32
      %lt3A_117 = arith.cmpi slt, %select_n3A_110, %lt3A_116 : i32
      %ne3A_118 = arith.xori %lt3A_115, %lt3A_117 : i1
      %and3A_119 = arith.andi %ne3A_118, %ne3A_113 : i1
      %add3A_120 = arith.addi %rem3A_111, %select_n3A_110 : i32
      %select_n3A_121 = arith.select %and3A_119, %add3A_120, %rem3A_111 : i32
      %jit3A_122 = arith.constant 8 : i32
      %eq3A_123 = arith.constant 0 : i32
      %eq3A_124 = arith.cmpi eq, %jit3A_122, %eq3A_123 : i32
      %jit3A_125 = arith.constant 1 : i32
      %select_n3A_126 = arith.select %eq3A_124, %jit3A_125, %jit3A_122 : i32
      %rem3A_127 = arith.remsi %add3A_57, %select_n3A_126 : i32
      %ne3A_128 = arith.constant 0 : i32
      %ne3A_129 = arith.cmpi ne, %rem3A_127, %ne3A_128 : i32
      %lt3A_130 = arith.constant 0 : i32
      %lt3A_131 = arith.cmpi slt, %rem3A_127, %lt3A_130 : i32
      %lt3A_132 = arith.constant 0 : i32
      %lt3A_133 = arith.cmpi slt, %select_n3A_126, %lt3A_132 : i32
      %ne3A_134 = arith.xori %lt3A_131, %lt3A_133 : i1
      %and3A_135 = arith.andi %ne3A_134, %ne3A_129 : i1
      %add3A_136 = arith.addi %rem3A_127, %select_n3A_126 : i32
      %select_n3A_137 = arith.select %and3A_135, %add3A_136, %rem3A_127 : i32
      %mul3A_138 = arith.constant 128 : i32
      %mul3A_139 = arith.muli %select_n3A_137, %mul3A_138 : i32
      "tpu.region"() ({
        %run_scoped3A = tpu.sem_alloc : memref<!tpu.dma_semaphore, #tpu.memory_space<semaphore_mem>>
        %dma_start3A_149 = tpu.memref_slice %arg4[%select_n3A_121, %select_n3A_81, %mul3A_139] : memref<2x50x1024xi32, #tpu.memory_space<hbm>> -> memref<1x1x128xi32, #tpu.memory_space<hbm>>
        %dma_start3A_150 = tpu.memref_squeeze %dma_start3A_149 : memref<1x1x128xi32, #tpu.memory_space<hbm>> -> memref<128xi32, #tpu.memory_space<hbm>>
        %dma_start3A_151 = tpu.memref_slice %arg4[%select_n3A_121, %select_n3A_81, %mul3A_139] : memref<2x50x1024xi32, #tpu.memory_space<hbm>> -> memref<1x1x128xi32, #tpu.memory_space<hbm>>
        %dma_start3A_152 = tpu.memref_squeeze %dma_start3A_151 : memref<1x1x128xi32, #tpu.memory_space<hbm>> -> memref<128xi32, #tpu.memory_space<hbm>>
        tpu.enqueue_dma source(%dma_start3A_152 : memref<128xi32, #tpu.memory_space<hbm>>) target(%arg8 : memref<128xi32, #tpu.memory_space<vmem>>) target_semaphore(%run_scoped3A : memref<!tpu.dma_semaphore, #tpu.memory_space<semaphore_mem>>)
        %dma_wait3A_153 = tpu.memref_slice %arg4[%select_n3A_121, %select_n3A_81, %mul3A_139] : memref<2x50x1024xi32, #tpu.memory_space<hbm>> -> memref<1x1x128xi32, #tpu.memory_space<hbm>>
        %dma_wait3A_154 = tpu.memref_squeeze %dma_wait3A_153 : memref<1x1x128xi32, #tpu.memory_space<hbm>> -> memref<128xi32, #tpu.memory_space<hbm>>
        %dma_wait3A_155 = tpu.memref_slice %arg4[%select_n3A_121, %select_n3A_81, %mul3A_139] : memref<2x50x1024xi32, #tpu.memory_space<hbm>> -> memref<1x1x128xi32, #tpu.memory_space<hbm>>
        %dma_wait3A_156 = tpu.memref_squeeze %dma_wait3A_155 : memref<1x1x128xi32, #tpu.memory_space<hbm>> -> memref<128xi32, #tpu.memory_space<hbm>>
        tpu.wait_dma2 semaphore(%run_scoped3A : memref<!tpu.dma_semaphore, #tpu.memory_space<semaphore_mem>>) src(%dma_wait3A_156 : memref<128xi32, #tpu.memory_space<hbm>>) dst(%arg8 : memref<128xi32, #tpu.memory_space<vmem>>)
        tpu.yield
      }) : () -> ()
      %dma_start3A_140 = arith.constant 0 : i32
      %dma_start3A_141 = arith.constant 0 : i32
      %dma_start3A_142 = tpu.memref_slice %arg5[%dma_start3A_140, %dma_start3A_141] : memref<2000x128xf32, #tpu.memory_space<hbm>> -> memref<2000x128xf32, #tpu.memory_space<hbm>>
      tpu.enqueue_indirect_dma source(%dma_start3A_142 : memref<2000x128xf32, #tpu.memory_space<hbm>>) target(%arg9 : memref<128x128xf32, #tpu.memory_space<vmem>>) offsets(%arg8 : memref<128xi32, #tpu.memory_space<vmem>>) semaphore(%arg10 : memref<!tpu.dma_semaphore, #tpu.memory_space<semaphore_mem>>)
      %dma_wait3A_143 = arith.constant 0 : i32
      %dma_wait3A_144 = arith.constant 0 : i32
      %dma_wait3A_145 = tpu.memref_slice %arg5[%dma_wait3A_143, %dma_wait3A_144] : memref<2000x128xf32, #tpu.memory_space<hbm>> -> memref<2000x128xf32, #tpu.memory_space<hbm>>
      tpu.wait_indirect_dma semaphore(%arg10 : memref<!tpu.dma_semaphore, #tpu.memory_space<semaphore_mem>>) src(%dma_wait3A_145 : memref<2000x128xf32, #tpu.memory_space<hbm>>) dst(%arg9 : memref<128x128xf32, #tpu.memory_space<vmem>>)
      %add3A_146 = arith.constant 8 : i32
      %add3A_147 = arith.addi %add3A_146, %select_n3A_121 : i32
      "tpu.region"() ({
        %run_scoped3A = tpu.sem_alloc : memref<!tpu.dma_semaphore, #tpu.memory_space<semaphore_mem>>
        %dma_start3A_149 = arith.constant 0 : i32
        %dma_start3A_150 = tpu.memref_slice %arg6[%select_n3A_81, %add3A_147, %mul3A_139, %dma_start3A_149] : memref<50x10x1024x128xf32, #tpu.memory_space<hbm>> -> memref<1x1x128x128xf32, #tpu.memory_space<hbm>>
        %dma_start3A_151 = tpu.memref_squeeze %dma_start3A_150 : memref<1x1x128x128xf32, #tpu.memory_space<hbm>> -> memref<128x128xf32, #tpu.memory_space<hbm>>
        %dma_start3A_152 = arith.constant 0 : i32
        %dma_start3A_153 = tpu.memref_slice %arg6[%select_n3A_81, %add3A_147, %mul3A_139, %dma_start3A_152] : memref<50x10x1024x128xf32, #tpu.memory_space<hbm>> -> memref<1x1x128x128xf32, #tpu.memory_space<hbm>>
        %dma_start3A_154 = tpu.memref_squeeze %dma_start3A_153 : memref<1x1x128x128xf32, #tpu.memory_space<hbm>> -> memref<128x128xf32, #tpu.memory_space<hbm>>
        tpu.enqueue_dma source(%arg9 : memref<128x128xf32, #tpu.memory_space<vmem>>) target(%dma_start3A_154 : memref<128x128xf32, #tpu.memory_space<hbm>>) target_semaphore(%run_scoped3A : memref<!tpu.dma_semaphore, #tpu.memory_space<semaphore_mem>>)
        %dma_wait3A_155 = arith.constant 0 : i32
        %dma_wait3A_156 = tpu.memref_slice %arg6[%select_n3A_81, %add3A_147, %mul3A_139, %dma_wait3A_155] : memref<50x10x1024x128xf32, #tpu.memory_space<hbm>> -> memref<1x1x128x128xf32, #tpu.memory_space<hbm>>
        %dma_wait3A_157 = tpu.memref_squeeze %dma_wait3A_156 : memref<1x1x128x128xf32, #tpu.memory_space<hbm>> -> memref<128x128xf32, #tpu.memory_space<hbm>>
        %dma_wait3A_158 = arith.constant 0 : i32
        %dma_wait3A_159 = tpu.memref_slice %arg6[%select_n3A_81, %add3A_147, %mul3A_139, %dma_wait3A_158] : memref<50x10x1024x128xf32, #tpu.memory_space<hbm>> -> memref<1x1x128x128xf32, #tpu.memory_space<hbm>>
        %dma_wait3A_160 = tpu.memref_squeeze %dma_wait3A_159 : memref<1x1x128x128xf32, #tpu.memory_space<hbm>> -> memref<128x128xf32, #tpu.memory_space<hbm>>
        tpu.wait_dma2 semaphore(%run_scoped3A : memref<!tpu.dma_semaphore, #tpu.memory_space<semaphore_mem>>) src(%arg9 : memref<128x128xf32, #tpu.memory_space<vmem>>) dst(%dma_wait3A_160 : memref<128x128xf32, #tpu.memory_space<hbm>>)
        tpu.yield
      }) : () -> ()
      %scan3A_148 = arith.constant 0 : i32
      scf.yield %scan3A_148 : i32
    }
    %scan3A_52 = arith.constant 25 : i32
    return
  }
}

module attributes {stable_mosaic.version = 14 : i64} {
  func.func @_obs_body(%arg0: i32, %arg1: memref<32x50x8x1xf32, #tpu.memory_space<vmem>>, %arg2: memref<8x128xf32, #tpu.memory_space<vmem>>, %arg3: memref<8x128xf32, #tpu.memory_space<vmem>>, %arg4: memref<32x50x8x128xf32, #tpu.memory_space<vmem>>) attributes {dimension_semantics = [#tpu.dimension_semantics<arbitrary>], iteration_bounds = array<i64: 32>, scalar_prefetch = 0 : i64, scratch_operands = 0 : i64, tpu.core_type = #tpu.core_type<tc>, window_params = [{transform_indices = @transform_0, window_bounds = array<i64: 32, 50, 8, 1>}, {pipeline_mode = #tpu.pipeline_mode<synchronous>, transform_indices = @transform_1, window_bounds = array<i64: 8, 128>}, {pipeline_mode = #tpu.pipeline_mode<synchronous>, transform_indices = @transform_2, window_bounds = array<i64: 8, 128>}, {transform_indices = @transform_3, window_bounds = array<i64: 32, 50, 8, 128>}]} {
    %get3A = arith.constant 0 : index
    %get3A_0 = arith.constant 0 : index
    %get3A_1 = arith.constant 0 : index
    %get3A_2 = arith.constant 0 : index
    %get3A_3 = vector.load %arg1[%get3A, %get3A_0, %get3A_1, %get3A_2] : memref<32x50x8x1xf32, #tpu.memory_space<vmem>>, vector<32x50x8x1xf32>
    %get3A_4 = arith.constant 0 : index
    %get3A_5 = arith.constant 0 : index
    %get3A_6 = vector.load %arg2[%get3A_4, %get3A_5] : memref<8x128xf32, #tpu.memory_space<vmem>>, vector<8x128xf32>
    %broadcast_in_dim3A = vector.shape_cast %get3A_6 : vector<8x128xf32> to vector<1x1x8x128xf32>
    %mul3A = vector.broadcast %get3A_3 : vector<32x50x8x1xf32> to vector<32x50x8x128xf32>
    %mul3A_7 = vector.broadcast %broadcast_in_dim3A : vector<1x1x8x128xf32> to vector<32x50x8x128xf32>
    %mul3A_8 = arith.mulf %mul3A, %mul3A_7 : vector<32x50x8x128xf32>
    %get3A_9 = arith.constant 0 : index
    %get3A_10 = arith.constant 0 : index
    %get3A_11 = vector.load %arg3[%get3A_9, %get3A_10] : memref<8x128xf32, #tpu.memory_space<vmem>>, vector<8x128xf32>
    %broadcast_in_dim3A_12 = vector.shape_cast %get3A_11 : vector<8x128xf32> to vector<1x1x8x128xf32>
    %add3A = vector.broadcast %broadcast_in_dim3A_12 : vector<1x1x8x128xf32> to vector<32x50x8x128xf32>
    %add3A_13 = arith.addf %mul3A_8, %add3A : vector<32x50x8x128xf32>
    %swap3A = arith.constant 0 : index
    %swap3A_14 = arith.constant 0 : index
    %swap3A_15 = arith.constant 0 : index
    %swap3A_16 = arith.constant 0 : index
    %swap3A_17 = vector.load %arg4[%swap3A, %swap3A_14, %swap3A_15, %swap3A_16] : memref<32x50x8x128xf32, #tpu.memory_space<vmem>>, vector<32x50x8x128xf32>
    tpu.vector_store %arg4[%swap3A, %swap3A_14, %swap3A_15, %swap3A_16], %add3A_13 {strides = array<i32>} : memref<32x50x8x128xf32, #tpu.memory_space<vmem>>, vector<32x50x8x128xf32>,
    return
  }
  func.func @transform_0(%arg0: i32) -> (i32, i32, i32, i32) {
    %c0_i32 = arith.constant 0 : i32
    %c0_i32_0 = arith.constant 0 : i32
    %c0_i32_1 = arith.constant 0 : i32
    %c0_i32_2 = arith.constant 0 : i32
    return %arg0, %c0_i32, %c0_i32_0, %c0_i32_1 : i32, i32, i32, i32
  }
  func.func @transform_1(%arg0: i32) -> (i32, i32) {
    %c0_i32 = arith.constant 0 : i32
    %c0_i32_0 = arith.constant 0 : i32
    %c0_i32_1 = arith.constant 0 : i32
    return %c0_i32, %c0_i32_0 : i32, i32
  }
  func.func @transform_2(%arg0: i32) -> (i32, i32) {
    %c0_i32 = arith.constant 0 : i32
    %c0_i32_0 = arith.constant 0 : i32
    %c0_i32_1 = arith.constant 0 : i32
    return %c0_i32, %c0_i32_0 : i32, i32
  }
  func.func @transform_3(%arg0: i32) -> (i32, i32, i32, i32) {
    %c0_i32 = arith.constant 0 : i32
    %c0_i32_0 = arith.constant 0 : i32
    %c0_i32_1 = arith.constant 0 : i32
    %c0_i32_2 = arith.constant 0 : i32
    return %arg0, %c0_i32, %c0_i32_0, %c0_i32_1 : i32, i32, i32, i32
  }
}

module attributes {stable_mosaic.version = 14 : i64} {
  func.func @_known_dense_body(%arg0: i32, %arg1: memref<50x8x32x1xf32, #tpu.memory_space<vmem>>, %arg2: memref<1x8x1x128xf32, #tpu.memory_space<vmem>>, %arg3: memref<1x8x1x128xf32, #tpu.memory_space<vmem>>, %arg4: memref<50x10x1024x128xf32, #tpu.memory_space<any>>, %arg5: memref<50x8x32x128xf32, #tpu.memory_space<vmem>>) attributes {dimension_semantics = [#tpu.dimension_semantics<arbitrary>], iteration_bounds = array<i64: 32>, scalar_prefetch = 0 : i64, scratch_operands = 0 : i64, tpu.core_type = #tpu.core_type<tc>, window_params = [{transform_indices = @transform_0, window_bounds = array<i64: 50, 8, 32, 1>}, {pipeline_mode = #tpu.pipeline_mode<synchronous>, transform_indices = @transform_1, window_bounds = array<i64: 1, 8, 1, 128>}, {pipeline_mode = #tpu.pipeline_mode<synchronous>, transform_indices = @transform_2, window_bounds = array<i64: 1, 8, 1, 128>}, {}, {transform_indices = @transform_4, window_bounds = array<i64: 50, 8, 32, 128>}]} {
    %get3A = arith.constant 0 : index
    %get3A_0 = arith.constant 0 : index
    %get3A_1 = arith.constant 0 : index
    %get3A_2 = arith.constant 0 : index
    %get3A_3 = vector.load %arg1[%get3A, %get3A_0, %get3A_1, %get3A_2] : memref<50x8x32x1xf32, #tpu.memory_space<vmem>>, vector<50x8x32x1xf32>
    %get3A_4 = arith.constant 0 : index
    %get3A_5 = arith.constant 0 : index
    %get3A_6 = arith.constant 0 : index
    %get3A_7 = arith.constant 0 : index
    %get3A_8 = vector.load %arg2[%get3A_4, %get3A_5, %get3A_6, %get3A_7] : memref<1x8x1x128xf32, #tpu.memory_space<vmem>>, vector<1x8x1x128xf32>
    %mul3A = vector.broadcast %get3A_3 : vector<50x8x32x1xf32> to vector<50x8x32x128xf32>
    %mul3A_9 = vector.broadcast %get3A_8 : vector<1x8x1x128xf32> to vector<50x8x32x128xf32>
    %mul3A_10 = arith.mulf %mul3A, %mul3A_9 : vector<50x8x32x128xf32>
    %get3A_11 = arith.constant 0 : index
    %get3A_12 = arith.constant 0 : index
    %get3A_13 = arith.constant 0 : index
    %get3A_14 = arith.constant 0 : index
    %get3A_15 = vector.load %arg3[%get3A_11, %get3A_12, %get3A_13, %get3A_14] : memref<1x8x1x128xf32, #tpu.memory_space<vmem>>, vector<1x8x1x128xf32>
    %add3A = vector.broadcast %get3A_15 : vector<1x8x1x128xf32> to vector<50x8x32x128xf32>
    %add3A_16 = arith.addf %mul3A_10, %add3A : vector<50x8x32x128xf32>
    %swap3A = arith.constant 0 : index
    %swap3A_17 = arith.constant 0 : index
    %swap3A_18 = arith.constant 0 : index
    %swap3A_19 = arith.constant 0 : index
    %swap3A_20 = vector.load %arg5[%swap3A, %swap3A_17, %swap3A_18, %swap3A_19] : memref<50x8x32x128xf32, #tpu.memory_space<vmem>>, vector<50x8x32x128xf32>
    tpu.vector_store %arg5[%swap3A, %swap3A_17, %swap3A_18, %swap3A_19], %add3A_16 {strides = array<i32>} : memref<50x8x32x128xf32, #tpu.memory_space<vmem>>, vector<50x8x32x128xf32>,
    return
  }
  func.func @transform_0(%arg0: i32) -> (i32, i32, i32, i32) {
    %c0_i32 = arith.constant 0 : i32
    %c0_i32_0 = arith.constant 0 : i32
    %c0_i32_1 = arith.constant 0 : i32
    %c0_i32_2 = arith.constant 0 : i32
    return %c0_i32, %c0_i32_0, %arg0, %c0_i32_1 : i32, i32, i32, i32
  }
  func.func @transform_1(%arg0: i32) -> (i32, i32, i32, i32) {
    %c0_i32 = arith.constant 0 : i32
    %c0_i32_0 = arith.constant 0 : i32
    %c0_i32_1 = arith.constant 0 : i32
    %c0_i32_2 = arith.constant 0 : i32
    %c0_i32_3 = arith.constant 0 : i32
    return %c0_i32, %c0_i32_0, %c0_i32_1, %c0_i32_2 : i32, i32, i32, i32
  }
  func.func @transform_2(%arg0: i32) -> (i32, i32, i32, i32) {
    %c0_i32 = arith.constant 0 : i32
    %c0_i32_0 = arith.constant 0 : i32
    %c0_i32_1 = arith.constant 0 : i32
    %c0_i32_2 = arith.constant 0 : i32
    %c0_i32_3 = arith.constant 0 : i32
    return %c0_i32, %c0_i32_0, %c0_i32_1, %c0_i32_2 : i32, i32, i32, i32
  }
  func.func @transform_4(%arg0: i32) -> (i32, i32, i32, i32) {
    %c0_i32 = arith.constant 0 : i32
    %c0_i32_0 = arith.constant 0 : i32
    %c0_i32_1 = arith.constant 0 : i32
    %c0_i32_2 = arith.constant 0 : i32
    return %c0_i32, %c0_i32_0, %arg0, %c0_i32_1 : i32, i32, i32, i32
  }
}

</mosaic_0001>

<sc_bundles>
// kernel: kernel.5.cloned.1.call-start
scs
__scs_entry_jumppad:
0x0: {  	(pc) =	sbr.rel $0x88, $3  }
0x1: {  	(tag) =	ssettag $0x0;
	lr =	simm.s32 $0x1  }
0x2: {  	[smem:$0x3F97] =	sst lr;
	_ =	strace $0xD0000000  }
0x3: {  	_ = 	snop  }
0x4: {  	_ = 	snop  }
0x5: {  	_ = 	snop  }
0x6: {  	_ = 	snop  }
0x7: {  	_ = 	snop  }
__scs_overlays_trampoline_lowered:
0x8: {  	[smem:$0x3FA6] =	sst s0  }
0x9: {  	[smem:$0x3FA7] =	sst s1  }
0xa: {  	[smem:$0x3FA8] =	sst s2  }
0xb: {  	[smem:$0x3FA9] =	sst s3  }
0xc: {  	[smem:$0x3FAA] =	sst s4  }
0xd: {  	[smem:$0x3FAB] =	sst s5  }
0xe: {  	[smem:$0x3FAC] =	sst s6  }
0xf: {  	[smem:$0x3FAD] =	sst s7  }
0x10: {  	[smem:$0x3FAE] =	sst s8  }
0x11: {  	[smem:$0x3FAF] =	sst s9;
	s0 =	simm.s32 @!p0 $0x0  }
0x12: {  	s1 =	sld [smem:$0x3F95];
	s0 =	simm.s32 @p0 $0x1  }
0x13: {  	[smem:$0x3FB0] =	sst s0;
	s0 =	simm.s32 @!p1 $0x0  }
0x14: {  	s2 =	sld [smem:$0x3F94];
	s0 =	simm.s32 @p1 $0x1  }
0x15: {  	[smem:$0x3FB1] =	sst s0;
	s0 =	simm.s32 @!p2 $0x0  }
0x16: {  	s3 =	sld [smem:$0x3FDB];
	s0 =	simm.s32 @p2 $0x1  }
0x17: {  	s4 =	simm.s32 $0x1BF5;
	[smem:$0x3FB3] =	sst s0  }
0x18: {  	s0 =	sld [smem:$0x3F96];
	_ =	swait.ge [sflag:s4], $0x0  }
0x19: {  	s7 =	sld [smem:$0x3F97]  }
0x1a: {  	s8 =	sadd.s32 $0xFFFFE003, lr  }
0x1b: {  	s9 =	sadd.s32 $0xFFFFFEF7, lr;
	s5 =	simm.s32 $0xFFFFFFFF;
	p2 =	slt.u32 s8, $0xFFFFF086  }
0x1c: {  	p1 =	slt.u32 s9, $0xF7A;
	s5 =	simm.s32 @!p2 $0x0  }
0x1d: {  	s5 =	simm.s32 @p1 $0x1;
	p0 =	seq.s32 s7, s2  }
0x1e: {  	s7 =	smul.u32 @!p0 $0xF7A, s2;
	p2 =	seq.s32 @!p0 s5, $0x0  }
0x1f: {  	s9 =	smul.u32 $0xF7A, s1;
	s8 =	simm.s32 @!p0 $0x1BF5;
	p2 =	por !p2, p0  }
0x20: {  	[sflag:s8] =	ssyncset.s32 @!p0 $0xFFFFF086;
	s6 =	sadd.s32 @!p0 s3, s7;
	s7 =	simm.s32 @!p0 $0x108  }
0x21: {  	s3 =	sadd.s32 s3, s9;
	s6 =	sadd.s32 @!p0 $0x88, s6;
	s7 =	simm.s32 @p2 $0x1082  }
0x22: {  	[simem:s7], [sflag:s8] =	dma.local @!p0 [hbm:s6], $0xF7A  }
0x23: {  	s9 =	sor.u32 $0xD0000000, s2;
	s6 =	simm.s32 $0x108;
	_ =	swait.ge @!p0 [sflag:s8], $0x0  }
0x24: {  	s3 =	sadd.s32 $0x88, s3;
	s6 =	simm.s32 @!p1 $0x1082;
	[sflag:s4] =	ssyncset.s32 $0xFFFFF086  }
0x25: {  	[simem:s6], [sflag:s4] =	dma.local [hbm:s3], $0xF7A  }
0x26: {  	[smem:$0x3F97] =	sst s1;
	(tag) =	ssettag s2;
	_ =	strace s9  }
0x27: {  	s1 =	sld [smem:$0x3FA7]  }
0x28: {  	s2 =	sld [smem:$0x3FA8]  }
0x29: {  	s4 =	sld [smem:$0x3FAA]  }
0x2a: {  	p0 =	seq.s32 s5, $0x0;
	s5 =	sld [smem:$0x3FAB]  }
0x2b: {  	s6 =	sld [smem:$0x3FAC]  }
0x2c: {  	s7 =	sld [smem:$0x3FAD]  }
0x2d: {  	s3 =	simm.s32 $0x108;
	s8 =	sld [smem:$0x3FAE]  }
0x2e: {  	s3 =	simm.s32 @!p0 $0x1082;
	s9 =	sld [smem:$0x3FAF]  }
0x2f: {  	lr =	sadd.s32 s0, s3;
	s0 =	sld [smem:$0x3FA6]  }
0x30: {  	s3 =	sld [smem:$0x3FA9]  }
0x31: {  	[smem:$0x3FB2] =	sst s10  }
0x32: {  	s10 =	sld [smem:$0x3FB0];
	_ =	sdelay $0x3  }
0x33: {  	p0 =	seq.s32 s10, $0x1;
	s10 =	sld [smem:$0x3FB2];
	_ =	sdelay $0x3  }
0x34: {  	[smem:$0x3FB2] =	sst s10  }
0x35: {  	s10 =	sld [smem:$0x3FB1];
	_ =	sdelay $0x3  }
0x36: {  	p1 =	seq.s32 s10, $0x1;
	s10 =	sld [smem:$0x3FB2];
	_ =	sdelay $0x3  }
0x37: {  	[smem:$0x3FB2] =	sst s10  }
0x38: {  	s10 =	sld [smem:$0x3FB3]  }
0x39: {  	_ = 	snop;
	(pc) =	sbr.ind lr, $3  }
0x3a: {  	_ = 	snop  }
0x3b: {  	_ = 	snop  }
0x3c: {  	p2 =	seq.s32 s10, $0x1;
	s10 =	sld [smem:$0x3FB2]  }
0x3d: {  	_ =	shalt  }
0x3e: {  	_ =	shalt  }
0x3f: {  	_ =	shalt  }
0x40: {  	_ =	shalt  }
0x41: {  	_ =	shalt  }
0x42: {  	_ =	shalt  }
0x43: {  	_ =	shalt  }
0x44: {  	_ =	shalt  }
0x45: {  	_ =	shalt  }
0x46: {  	_ =	shalt  }
0x47: {  	_ =	shalt  }
0x48: {  	_ =	shalt  }
0x49: {  	_ =	shalt  }
0x4a: {  	_ =	shalt  }
0x4b: {  	_ =	shalt  }
0x4c: {  	_ =	shalt  }
0x4d: {  	_ =	shalt  }
0x4e: {  	_ =	shalt  }
0x4f: {  	_ =	shalt  }
0x50: {  	_ =	shalt  }
0x51: {  	_ =	shalt  }
0x52: {  	_ =	shalt  }
0x53: {  	_ =	shalt  }
0x54: {  	_ =	shalt  }
0x55: {  	_ =	shalt  }
0x56: {  	_ =	shalt  }
0x57: {  	_ =	shalt  }
0x58: {  	_ =	shalt  }
0x59: {  	_ =	shalt  }
0x5a: {  	_ =	shalt  }
0x5b: {  	_ =	shalt  }
0x5c: {  	_ =	shalt  }
0x5d: {  	_ =	shalt  }
0x5e: {  	_ =	shalt  }
0x5f: {  	_ =	shalt  }
0x60: {  	_ =	shalt  }
0x61: {  	_ =	shalt  }
0x62: {  	_ =	shalt  }
0x63: {  	_ =	shalt  }
0x64: {  	_ =	shalt  }
0x65: {  	_ =	shalt  }
0x66: {  	_ =	shalt  }
0x67: {  	_ =	shalt  }
0x68: {  	_ =	shalt  }
0x69: {  	_ =	shalt  }
0x6a: {  	_ =	shalt  }
0x6b: {  	_ =	shalt  }
0x6c: {  	_ =	shalt  }
0x6d: {  	_ =	shalt  }
0x6e: {  	_ =	shalt  }
0x6f: {  	_ =	shalt  }
0x70: {  	_ =	shalt  }
0x71: {  	_ =	shalt  }
0x72: {  	_ =	shalt  }
0x73: {  	_ =	shalt  }
0x74: {  	_ =	shalt  }
0x75: {  	_ =	shalt  }
0x76: {  	_ =	shalt  }
0x77: {  	_ =	shalt  }
0x78: {  	_ =	shalt  }
0x79: {  	_ =	shalt  }
0x7a: {  	_ =	shalt  }
0x7b: {  	_ =	shalt  }
0x7c: {  	_ =	shalt  }
0x7d: {  	_ =	shalt  }
0x7e: {  	_ =	shalt  }
0x7f: {  	_ =	shalt  }
0x80: {  	_ =	shalt  }
0x81: {  	_ =	shalt  }
0x82: {  	_ =	shalt  }
0x83: {  	_ =	shalt  }
0x84: {  	_ =	shalt  }
0x85: {  	_ =	shalt  }
0x86: {  	_ =	shalt  }
0x87: {  	_ =	shalt  }
.Lfunc_end0:
.L_simem_size_0:
called_computation_lowered:
.L_overlay_start_0:
0x88: {  	s2 =	sld [smem:$0x3FD9]  }
0x89: {  	s3 =	sld [smem:$0x3FFE];
	_ =	sdelay $0x1  }
0x8a: {  	s1 =	srdreg.scid  }
0x8b: {  	s0 =	sand.u32 $0x1, s1  }
0x8c: {  	s14 =	sshll.u32 s0, $0xA;
	s2 =	sadd.s32 s3, s2  }
0x8d: {  	s2 =	sadd.s32 s2, s14  }
0x8e: {  	[smem:$0x3FBE] =	sst s2  }
0x8f: {  	_ = 	snop  }
0x90: {  	s2 =	sld [smem:$0x3FD0];
	_ =	sdelay $0x1  }
0x91: {  	s15 =	sld [smem:$0x3FC5]  }
0x92: {  	s5 =	simm.s32 $0xA;
	s6 =	simm.s32 $0x10;
	s4 =	sld [smem:$0x3FC4]  }
0x93: {  	[smem:s6], [sflag:s5] =	dma.local [hbm:s2], $0x1  }
0x94: {  	_ =	swait.eq [sflag:s5], $0x1  }
0x95: {  	[sflag:s5] =	ssyncset.done $0x0  }
0x96: {  	s16 =	sld [smem:$0x10];
	[sflag:s5] =	ssyncadd.s32 $0xFFFFFFFF  }
0x97: {  	s17 =	sld [smem:$0x11];
	(tm) =	ssettm $0x1  }
0x98: {  	s18 =	sld [smem:$0x3FFB];
	_ =	sdelay $0x3  }
0x99: {  	_ =	strace s18  }
0x9a: {  	s6 =	sld [smem:$0x3FFC];
	_ =	sdelay $0x3  }
0x9b: {  	_ =	strace s6  }
0x9c: {  	s6 =	sld [smem:$0x3FFD];
	_ =	sdelay $0x3  }
0x9d: {  	_ =	strace s6  }
0x9e: {  	_ =	strace $0x8FFFFFFF  }
0x9f: {  	s19 =	sld [smem:$0x3FDB];
	_ =	sdelay $0x1  }
0xa0: {  	s7 =	simm.s32 $_scs_section_size  }
0xa1: {  	s8 =	simm.s32 $_size__tile_overlayer_lowered;
	s9 =	simm.s32 $_tile_overlayer_lowered  }
0xa2: {  	s22 =	simm.s32 $0x1BFF;
	s21 =	sshll.u32 s9, $0x1;
	s6 =	sadd.s32 s7, s19  }
0xa3: {  	s10 =	simm.s32 $0x0;
	s20 =	sshll.u32 s8, $0x1;
	s8 =	sadd.s32 s21, s6  }
0xa4: {  	[timem:s10], [sflag:s22] =	dma.local [hbm:s8], s20  }
0xa5: {  	_ =	swait.ge [sflag:s22], s20  }
0xa6: {  	s7 =	ssub.s32 $0x0, s20;
	[sflag:s22] =	ssyncset.done $0x0  }
0xa7: {  	[sflag:s22] =	ssyncadd.s32 s7;
	_ =	sdelay $0x1  }
0xa8: {  	s23 =	simm.s32 $0x1B8B  }
0xa9: {  	_ =	swait.ge [sflag:s23], $0x1  }
0xaa: {  	[sflag:s23] =	ssyncset.done $0x0  }
0xab: {  	s25 =	simm.s32 $0x1B8E;
	s24 =	sld [smem:$0x3FFE];
	[sflag:s23] =	ssyncadd.s32 $0xFFFFFFFF  }
0xac: {  	s26 =	simm.s32 $execute0_lowered;
	[smem:$0x3FD2] =	sst s25  }
0xad: {  	s8 =	sshll.u32 s26, $0x1;
	_ =	strace $0x80000046;
	[dreg:$0x1] =	wrdreg $0xFFFFFFFF  }
0xae: {  	s28 =	simm.s32 $_size_execute0_lowered;
	s6 =	sadd.s32 s6, s8;
	[dreg:$0x0] =	wrdreg $0x0  }
0xaf: {  	s8 =	sshll.u32 s28, $0x1;
	[dreg:$0x2] =	wrdreg s6  }
0xb0: {  	[dreg:$0x3] =	wrdreg s8  }
0xb1: {  	[dreg:$0x4] =	wrdreg $0xC0  }
0xb2: {  	_ =	task [dreg:s10], $0x5FFFF  }
0xb3: {  	[dreg:$0x1] =	wrdreg $0xFFFFFFFF  }
0xb4: {  	[dreg:$0x0] =	wrdreg $0x60  }
0xb5: {  	[dreg:$0x2] =	wrdreg s24  }
0xb6: {  	[dreg:$0x3] =	wrdreg s15  }
0xb7: {  	[dreg:$0x4] =	wrdreg s4  }
0xb8: {  	[dreg:$0x5] =	wrdreg s17  }
0xb9: {  	[dreg:$0x6] =	wrdreg s16  }
0xba: {  	[dreg:$0x7] =	wrdreg $0x9  }
0xbb: {  	_ =	task.clear_ibuf [dreg:s10], $0x8FFFF;
	_ =	strace $0x90000046  }
0xbc: {  	s29 =	simm.s32 $0x9;
	_ =	strace $0x80000048  }
0xbd: {  	_ =	swait.ge [sflag:s29], $0x1  }
0xbe: {  	[sflag:s29] =	ssyncadd.s32 $0xFFFFFFFF  }
0xbf: {  	_ =	strace $0x90000048  }
0xc0: {  	_ =	sfence  }
0xc1: {  	s30 =	sld [smem:$0x0];
	_ =	sdelay $0x2  }
0xc2: {  	s31 =	sshll.u32 s1, $0xD;
	s1 =	sshrl.u32 s1, $0x2  }
0xc3: {  	s3 =	sand.u32 $0x4000, s31;
	s1 =	sadd.s32 s1, s30  }
0xc4: {  	s0 =	sor.u32 s3, s0;
	s1 =	sshll.u32 s1, $0x11  }
0xc5: {  	s0 =	sor.u32 s1, s0  }
0xc6: {  	s0 =	sadd.s32 $0x8F2B, s0  }
0xc7: {  	[sflag:s0] =	ssyncadd.remote.s32 $0x1  }
0xc8: {  	_ =	sfence.sel $0xFFFF  }
0xc9: {  	[dreg:$0x0] =	wrdreg $0xFFFFFFFF;
	(pc) =	sbr.abs _section_cstart, $3  }
0xca: {  	[dreg:$0x1] =	wrdreg $0xFFFFFFFF  }
0xcb: {  	_ =	task.clear_ibuf [dreg:s10], $0x2FFFF;
	_ =	strace $0x9FFFFFFF  }
0xcc: {  	(tm) =	ssettm $0x7FFFFFFF  }
0xcd: {  	_ =	shalt  }
tec
execute0_lowered:
.L_overlay_start_1:
0x0: {  	(tag) =	ssettag $0x1  }
0x1: {  	s6 =	rddreg [dreg:$0x0]  }
0x2: {  	s1 =	rddreg [dreg:$0x1]  }
0x3: {  	s2 =	rddreg [dreg:$0x2]  }
0x4: {  	s3 =	srdreg.scid;
	s4 =	rddreg [dreg:$0x3]  }
0x5: {  	s0 =	stileid.u32;
	s8 =	rddreg [dreg:$0x4];
	s5 =	simm.s32 $0x0  }
0x6: {  	s15 =	simm.s32 $0x80;
	s16 =	simm.s32 $0x1;
	s17 =	simm.s32 $0x200  }
0x7: {  	s7 =	sand.u32 $0x1, s3;
	s13 =	sshll.u32 s0, $0x1;
	s3 =	rddreg [dreg:$0x5]  }
0x8: {  	s9 =	sshll.u32 s0, $0x5;
	[smem:$0x7FF] =	sst s5;
	s19 =	sand.u32 $0x4, s0  }
0x9: {  	s12 =	sor.u32 s7, s13;
	s9 =	sand.u32 $0x180, s9;
	_ =	strace $0x80000047  }
0xa: {  	s7 =	ssub.s32 $0x2, s7;
	s13 =	sshrl.u32 s13, $0x4;
	p1 =	sne.s32 s19, $0x0  }
0xb: {  	s18 =	sand.u32 $0x7, s12;
	s14 =	sshrl.u32 s7, $0x1;
	s30 =	sshll.u32 s12, $0x7  }
0xc: {  	s20 =	sand.u32 $0xF, s12;
	s12 =	ssub.s32 $0x0, s12;
	s10 =	sshll.u32 s18, $0x9  }
0xd: {  	s11 =	sshll.u32 s18, $0x10;
	s29 =	ssub.s32 s7, s14;
	s31 =	sand.u32 $0x380, s30  }
0xe: {  	s14 =	simm.s32 $0x2;
	p0 =	sne.s32 s20, $0x0;
	p2 =	sne.s32 s18, $0x0  }
0xf: {  	s18 =	simm.s32 $0x0;
	s10 =	sor.u32 s9, s10;
	s9 =	sor.u32 s9, s11  }
0x10: {  	s11 =	smax.u32 s29, $0x1;
	s10 =	sshrl.u32 s10, $0x3;
	s9 =	sshrl.u32 s9, $0x3  }
0x11: {  	s10 =	sadd.s32 s10, s6;
	s6 =	sadd.s32 $0x1400, s6;
	s8 =	sadd.s32 s8, s9  }
0x12: {  	s9 =	sshll.u32 s31, $0x3;
	s7 =	sadd.s32 $0x1200, s10;
	s10 =	sshll.u32 s31, $0x7  }
.LBB2_1:
0x13: {  	[tilespmem:s5], [sflag:$0x2] =	stream.linear.gather [hbm4b:s7+s5], $0x80, $0x38;
	[tilespmem:$0x4080] =	vst v63  }
0x14: {  	p3 =	seq.s32 s12, $0x0;
	s19 =	simm.s32 $0x1;
	s22 =	simm.s32 $0x120000  }
0x15: {  	s23 =	simm.s32 $0xE000;
	p5 =	seq.s32 s12, $0x20;
	_ =	swait.ge [sflag:s14], $0x80  }
0x16: {  	p4 =	por !p0, !p3;
	p3 =	por !p2, !p3;
	p6 =	por !p2, !p5  }
0x17: {  	[sflag:s14] =	ssyncset.done $0x0;
	p4 =	por !p4, !p4;
	p3 =	por !p3, !p3  }
0x18: {  	[sflag:s14] =	ssyncadd.s32 $0xFFFFFF80;
	s19 =	simm.s32 @!p4 $0x0;
	p4 =	por !p3, !p3  }
0x19: {  	[tilespmem:s15], [sflag:$0x1] =	stream.indirect.gather [hbm4b:s1+s15], $0x80, s5, s15, $0xb8;
	[tilespmem:$0x4080] =	vst v63  }
0x1a: {  	s19 =	ssub.s32 s13, s19;
	p4 =	por @!p1 p3, p3;
	p3 =	por !p0, !p5  }
0x1b: {  	_ =	swait.ge [sflag:s16], $0x4000;
	s20 =	sshll.u32 s19, $0xA;
	s21 =	smul.u32 $0x140000, s19  }
0x1c: {  	s19 =	sshll.u32 s19, $0x7;
	s22 =	simm.s32 @!p4 $0x100000;
	s23 =	simm.s32 @!p4 $0x0  }
0x1d: {  	p4 =	por !p6, !p6;
	p5 =	por !p3, !p3;
	[sflag:s16] =	ssyncset.done $0x0  }
0x1e: {  	s20 =	sand.u32 $0xFFFFE000, s20;
	s19 =	sand.u32 $0x380, s19;
	p3 =	por !p4, !p4  }
0x1f: {  	[sflag:s16] =	ssyncadd.s32 $0xFFFFC000;
	s21 =	sadd.s32 s22, s21;
	s20 =	sadd.s32 s23, s20  }
0x20: {  	[hbm4b:s8+s15] =	stream.strided.scatter [tilespmem:s15], [sflag:$0x2], $0x4000, s17, s15, $0x38;
	[tilespmem:$0x4080] =	vst v63  }
0x21: {  	s23 =	simm.s32 $0x1;
	p3 =	por @!p1 p4, p4;
	s20 =	sor.u32 s9, s20  }
0x22: {  	s22 =	sor.u32 s10, s21;
	_ =	swait.ge [sflag:s14], $0x4000;
	s19 =	sor.u32 s19, s20  }
0x23: {  	s23 =	simm.s32 @!p5 $0x0;
	[sflag:s14] =	ssyncset.done $0x0;
	s19 =	sshrl.u32 s19, $0x3  }
0x24: {  	s20 =	sadd.s32 $0x2, s13;
	[sflag:s14] =	ssyncadd.s32 $0xFFFFC000;
	s19 =	sadd.s32 s6, s19  }
0x25: {  	[tilespmem:s5], [sflag:$0x2] =	stream.linear.gather [hbm4b:s19+s5], $0x80, $0x38;
	[tilespmem:$0x4080] =	vst v63  }
0x26: {  	s21 =	simm.s32 $0x40;
	s19 =	sshrl.u32 s22, $0x3;
	s22 =	ssub.s32 s20, s23  }
.LBB2_2:
0x27: {  	s23 =	sshll.u32 s22, $0xA;
	s24 =	smul.u32 $0x140000, s22  }
0x28: {  	_ =	swait.ge [sflag:s14], $0x80;
	s25 =	smov.u32 s21;
	s26 =	simm.s32 $0x120000  }
0x29: {  	s22 =	sshll.u32 s22, $0x7;
	s26 =	simm.s32 @!p3 $0x100000;
	[sflag:s14] =	ssyncset.done $0x0  }
0x2a: {  	s22 =	sand.u32 $0x380, s22;
	s24 =	sadd.s32 s26, s24;
	[sflag:s14] =	ssyncadd.s32 $0xFFFFFF80  }
0x2b: {  	[tilespmem:s15], [sflag:$0x1] =	stream.indirect.gather [hbm4b:s2+s15], $0x80, s5, s15, $0xb8;
	[tilespmem:$0x4080] =	vst v63  }
0x2c: {  	s26 =	sadd.s32 s4, s19;
	s24 =	sor.u32 s10, s24;
	_ =	swait.ge [sflag:s16], $0x4000  }
0x2d: {  	s28 =	sadd.s32 $0x20, s21;
	s19 =	sshrl.u32 s24, $0x3;
	[sflag:s16] =	ssyncset.done $0x0  }
0x2e: {  	p4 =	sne.s32 s21, $0x300;
	s21 =	simm.s32 $0xE000;
	[sflag:s16] =	ssyncadd.s32 $0xFFFFC000  }
0x2f: {  	[hbm4b:s26+s5] =	stream.linear.scatter [tilespmem:s15], [sflag:$0x2], $0x4000, $0x38;
	[tilespmem:$0x4080] =	vst v63  }
0x30: {  	s21 =	simm.s32 @!p3 $0x0;
	s23 =	sand.u32 $0xFFFFE000, s23;
	_ =	swait.ge [sflag:s14], $0x4000  }
0x31: {  	s21 =	sadd.s32 s21, s23;
	[sflag:s14] =	ssyncset.done $0x0  }
0x32: {  	p3 =	seq.s32 s12, s25;
	s21 =	sor.u32 s9, s21;
	[sflag:s14] =	ssyncadd.s32 $0xFFFFC000  }
0x33: {  	p5 =	por !p2, !p3;
	p3 =	por !p0, !p3;
	s21 =	sor.u32 s22, s21  }
0x34: {  	p5 =	por !p5, !p5;
	p6 =	por !p3, !p3;
	s21 =	sshrl.u32 s21, $0x3  }
.Ltmp0:
0x35: {  	s22 =	simm.s32 $0x1;
	s21 =	sadd.s32 s6, s21;
	(pc) =	sbr.rel @p4 .LBB2_2-.Ltmp0, $4  }
0x36: {  	s20 =	sadd.s32 $0x2, s20;
	p3 =	por !p5, !p5;
	s22 =	simm.s32 @!p6 $0x0  }
0x37: {  	p3 =	por @!p1 p5, p5;
	s22 =	ssub.s32 s20, s22  }
0x38: {  	[tilespmem:s5], [sflag:$0x2] =	stream.linear.gather [hbm4b:s21+s5], $0x80, $0x38;
	[tilespmem:$0x4080] =	vst v63  }
0x39: {  	s21 =	smov.u32 s28  }
0x3a: {  	_ =	swait.ge [sflag:s14], $0x80  }
0x3b: {  	[sflag:s14] =	ssyncset.done $0x0  }
0x3c: {  	[sflag:s14] =	ssyncadd.s32 $0xFFFFFF80  }
0x3d: {  	[tilespmem:s15], [sflag:$0x1] =	stream.indirect.gather [hbm4b:s2+s15], $0x80, s5, s15, $0xb8;
	[tilespmem:$0x4080] =	vst v63  }
0x3e: {  	_ =	swait.ge [sflag:s16], $0x4000  }
0x3f: {  	s19 =	sadd.s32 s4, s19;
	[sflag:s16] =	ssyncset.done $0x0  }
0x40: {  	s29 =	sshll.u32 s22, $0xA;
	s20 =	simm.s32 $0xE000;
	[sflag:s16] =	ssyncadd.s32 $0xFFFFC000  }
0x41: {  	[hbm4b:s19+s5] =	stream.linear.scatter [tilespmem:s15], [sflag:$0x2], $0x4000, $0x38;
	[tilespmem:$0x4080] =	vst v63  }
0x42: {  	s20 =	simm.s32 @!p3 $0x0;
	s19 =	sand.u32 $0xFFFFE000, s29  }
0x43: {  	s21 =	sshll.u32 s22, $0x7;
	s19 =	sadd.s32 s20, s19  }
0x44: {  	s30 =	sand.u32 $0x380, s21;
	s19 =	sor.u32 s9, s19  }
0x45: {  	_ =	swait.ge [sflag:s14], $0x4000;
	s19 =	sor.u32 s30, s19  }
0x46: {  	[sflag:s14] =	ssyncset.done $0x0;
	s19 =	sshrl.u32 s19, $0x3  }
0x47: {  	[sflag:s14] =	ssyncadd.s32 $0xFFFFC000;
	s19 =	sadd.s32 s6, s19  }
0x48: {  	[tilespmem:s5], [sflag:$0x2] =	stream.linear.gather [hbm4b:s19+s5], $0x80, $0x38;
	[tilespmem:$0x4080] =	vst v63  }
0x49: {  	s31 =	smul.u32 $0x140000, s22;
	s20 =	simm.s32 $0x120000;
	_ =	swait.ge [sflag:s14], $0x80  }
0x4a: {  	s20 =	simm.s32 @!p3 $0x100000;
	[sflag:s14] =	ssyncset.done $0x0  }
0x4b: {  	s19 =	sadd.s32 s20, s31;
	[sflag:s14] =	ssyncadd.s32 $0xFFFFFF80  }
0x4c: {  	[tilespmem:s15], [sflag:$0x1] =	stream.indirect.gather [hbm4b:s2+s15], $0x80, s5, s15, $0xb8;
	[tilespmem:$0x4080] =	vst v63  }
0x4d: {  	s18 =	sadd.s32 $0x1, s18;
	s19 =	sor.u32 s10, s19;
	_ =	swait.ge [sflag:s16], $0x4000  }
0x4e: {  	p3 =	sne.s32 s18, s11;
	s19 =	sshrl.u32 s19, $0x3;
	[sflag:s16] =	ssyncset.done $0x0  }
.Ltmp1:
0x4f: {  	s19 =	sadd.s32 s4, s19;
	[sflag:s16] =	ssyncadd.s32 $0xFFFFC000;
	(pc) =	sbr.rel @p3 .LBB2_1-.Ltmp1, $4  }
0x50: {  	[hbm4b:s19+s5] =	stream.linear.scatter [tilespmem:s15], [sflag:$0x2], $0x4000, $0x38;
	[tilespmem:$0x4080] =	vst v63  }
0x51: {  	_ =	swait.ge [sflag:s14], $0x4000  }
0x52: {  	[sflag:s14] =	ssyncset.done $0x0  }
0x53: {  	[sflag:s14] =	ssyncadd.s32 $0xFFFFC000  }
0x54: {  	_ =	sfence.sel $0x180000  }
0x55: {  	[bflag:$0x0] =	sbarrier.arrive $0xFFFF  }
0x56: {  	p0 =	sne.s32 s0, $0x0;
	_ =	strace $0x90000047  }
0x57: {  	s0 =	sadd.s32 @!p0 $0x100000, s3;
	[bflag:$0x2] =	sbarrier.arrive $0xFFFF  }
0x58: {  	[sflag:s0] =	ssyncadd.tile.s32 @!p0 $0x1;
	_ =	shalt  }
.Lfunc_end2:
_tile_overlayer_lowered:
.L_overlay_start_2:
0x59: {  	(tag) =	ssettag $0x2  }
0x5a: {  	s0 =	rddreg [dreg:$0x0];
	s2 =	stileid.u32  }
0x5b: {  	s1 =	rddreg [dreg:$0x1];
	p0 =	sne.s32 s2, $0x0  }
0x5c: {  	s3 =	rddreg [dreg:$0x2];
	[bflag:$0x3] =	sbarrier.arrive $0xFFFF;
	s2 =	simm.s32 @!p0 $0x1C02  }
0x5d: {  	[timem:s3], [sflag:s2] =	dma.local @!p0 [hbm:s0], s1  }
0x5e: {  	s0 =	simm.s32 @!p0 $0x2  }
0x5f: {  	_ =	swait.ge @!p0 [sflag:s0], s1  }
0x60: {  	s1 =	ssub.s32 @!p0 $0x0, s1;
	[sflag:s0] =	ssyncset.done @!p0 $0x0  }
0x61: {  	[sflag:s0] =	ssyncadd.s32 @!p0 s1  }
0x62: {  	[bflag:$0x3] =	sbarrier.arrive $0xFFFF  }
0x63: {  	_ =	shalt  }

</sc_bundles>
